<compile_context>
chip_gen: v7x
topology: tpu7x:2x2x1
jax: 0.10.2.dev20260603
libtpu: 0.0.44.dev20260713+nightly
codegen_flags: <defaults>
</compile_context>

<pallas_src>
import functools

import jax
import jax.numpy as jnp
from jax import lax
from jax.experimental import pallas as pl
from jax.experimental.pallas import tpu as pltpu
from jax.experimental.pallas import tpu_sc as plsc

B, N, D = 4, 2048, 2048
NUM_CORES = 2
NUM_SUBCORES = 16
NW = NUM_CORES * NUM_SUBCORES
ROWS_PER_W = N // NW
CHUNK = 16
NCHUNK = ROWS_PER_W // CHUNK
NBUF = 3

_mesh = plsc.VectorSubcoreMesh(core_axis_name="c", subcore_axis_name="s")


@functools.partial(
    pl.kernel,
    mesh=_mesh,
    out_type=jax.ShapeDtypeStruct((B * N, D), jnp.float32),
    scratch_types=(
        [pltpu.VMEM((CHUNK, D), jnp.float32) for _ in range(NBUF)]
        + [pltpu.SemaphoreType.DMA for _ in range(2 * NBUF)]
    ),
)
def _bcast_copy(w_hbm, out_hbm, *scratch):
    bufs = scratch[:NBUF]
    rsem = scratch[NBUF:2 * NBUF]
    wsem = scratch[2 * NBUF:]
    wid = lax.axis_index("s") * NUM_CORES + lax.axis_index("c")
    base = wid * ROWS_PER_W

    reads = [None] * NCHUNK
    writes = [None] * NCHUNK
    drained = set()

    def start_read(i):
        r0 = base + i * CHUNK
        reads[i] = pltpu.async_copy(
            w_hbm.at[pl.ds(r0, CHUNK), :], bufs[i % NBUF], rsem[i % NBUF])

    for i in range(min(NBUF, NCHUNK)):
        start_read(i)
    for i in range(NCHUNK):
        reads[i].wait()
        r0 = base + i * CHUNK
        writes[i] = [
            pltpu.async_copy(bufs[i % NBUF],
                             out_hbm.at[pl.ds(b * N + r0, CHUNK), :],
                             wsem[i % NBUF])
            for b in range(B)
        ]
        j = i + NBUF - 1
        if NBUF <= j < NCHUNK:
            for h in writes[j - NBUF]:
                h.wait()
            drained.add(j - NBUF)
            start_read(j)
    for i in range(NCHUNK):
        if i not in drained:
            for h in writes[i]:
                h.wait()


def kernel(x, embed_weight):
    b, n = x.shape
    out = _bcast_copy(embed_weight)
    return out.reshape(b, n, D)

# --- scband reference (transcript-rebuilt; emitter-appended) ---
"""Pipeline reference for scband-positional-embedding-33844342292959 (READ-ONLY COPY).

The authoritative reference and input builder live on the scoring server;
editing this copy changes nothing except your own understanding.
"""

import jax, jax.numpy as jnp
import numpy as np

EMBEDDING_DIM = 2048
MAX_LENGTH = 4096


def _build_table():
    # Faithful to torch init: weight = 1 / max_length ** (2*index/embedding_dim),
    # bias[::2] = pi/2, table = cos(pos[:,None] * weight + bias)
    index = jnp.arange(EMBEDDING_DIM, dtype=jnp.float32)
    weight = 1.0 / (MAX_LENGTH ** (2.0 * index / EMBEDDING_DIM))
    bias = jnp.zeros((EMBEDDING_DIM,), dtype=jnp.float32)
    bias = bias.at[::2].set(np.pi / 2.0)
    pos = jnp.arange(MAX_LENGTH, dtype=jnp.float32)
    return jnp.cos(pos[:, None] * weight[None, :] + bias[None, :])


def setup_inputs(seed: int = 0) -> dict:
    key = jax.random.key(seed)
    x = jax.random.normal(key, (4, 2048), dtype=jnp.float32)
    # Trainable embedding table (nn.Embedding.from_pretrained(z, freeze=False))
    embed_weight = _build_table()
    return {"x": x, "embed_weight": embed_weight}


def reference(x, embed_weight):
    b, n = x.shape[:2]
    pos = jnp.arange(n)
    # embedding lookup (gather)
    z = jnp.take(embed_weight, pos, axis=0)[None, :, :]  # [1, n, d]
    # faithful to z.expand(b, n, z.size(1)) with z.size(1)==n (requires d==n)
    z = jnp.broadcast_to(z, (b, n, z.shape[1]))
    return z

if __name__ == "__main__":
    import jax
    _d = setup_inputs()
    print(jax.jit(kernel)(*tuple(_d.values())))

</pallas_src>

<mosaic_0001>
#map = affine_map<(d0, d1) -> (0, 0)>
module attributes {stable_mosaic.version = 14 : i64} {
  func.func @_bcast_copy(%arg0: i32, %arg1: i32, %arg2: memref<4096x2048xf32, #tpu.memory_space<hbm>>, %arg3: memref<8192x2048xf32, #tpu.memory_space<hbm>>, %arg4: memref<16x2048xf32, #tpu.memory_space<vmem>>, %arg5: memref<16x2048xf32, #tpu.memory_space<vmem>>, %arg6: memref<16x2048xf32, #tpu.memory_space<vmem>>, %arg7: memref<!tpu.dma_semaphore, #tpu.memory_space<semaphore_mem>>, %arg8: memref<!tpu.dma_semaphore, #tpu.memory_space<semaphore_mem>>, %arg9: memref<!tpu.dma_semaphore, #tpu.memory_space<semaphore_mem>>, %arg10: memref<!tpu.dma_semaphore, #tpu.memory_space<semaphore_mem>>, %arg11: memref<!tpu.dma_semaphore, #tpu.memory_space<semaphore_mem>>, %arg12: memref<!tpu.dma_semaphore, #tpu.memory_space<semaphore_mem>>) attributes {dimension_semantics = [#tpu.dimension_semantics<core_parallel>, #tpu.dimension_semantics<subcore_parallel>], iteration_bounds = array<i64: 2, 16>, scalar_prefetch = 0 : i64, scratch_operands = 9 : i64, tpu.core_type = #tpu.core_type<sc_vector_subcore>, window_params = [{transform_indices = #map}, {transform_indices = #map}]} {
    %mul3A = arith.constant 2 : i32
    %mul3A_0 = arith.muli %arg1, %mul3A : i32
    %add3A = arith.addi %mul3A_0, %arg0 : i32
    %mul3A_1 = arith.constant 64 : i32
    %mul3A_2 = arith.muli %add3A, %mul3A_1 : i32
    %add3A_3 = arith.constant 0 : i32
    %add3A_4 = arith.addi %mul3A_2, %add3A_3 : i32
    %dma_start3A = arith.constant 0 : i32
    %dma_start3A_5 = tpu.memref_slice %arg2[%add3A_4, %dma_start3A] : memref<4096x2048xf32, #tpu.memory_space<hbm>> -> memref<16x2048xf32, #tpu.memory_space<hbm>>
    %dma_start3A_6 = arith.constant 0 : i32
    %dma_start3A_7 = tpu.memref_slice %arg2[%add3A_4, %dma_start3A_6] : memref<4096x2048xf32, #tpu.memory_space<hbm>> -> memref<16x2048xf32, #tpu.memory_space<hbm>>
    tpu.enqueue_dma source(%dma_start3A_7 : memref<16x2048xf32, #tpu.memory_space<hbm>>) target(%arg4 : memref<16x2048xf32, #tpu.memory_space<vmem>>) target_semaphore(%arg7 : memref<!tpu.dma_semaphore, #tpu.memory_space<semaphore_mem>>)
    %add3A_8 = arith.constant 16 : i32
    %add3A_9 = arith.addi %mul3A_2, %add3A_8 : i32
    %dma_start3A_10 = arith.constant 0 : i32
    %dma_start3A_11 = tpu.memref_slice %arg2[%add3A_9, %dma_start3A_10] : memref<4096x2048xf32, #tpu.memory_space<hbm>> -> memref<16x2048xf32, #tpu.memory_space<hbm>>
    %dma_start3A_12 = arith.constant 0 : i32
    %dma_start3A_13 = tpu.memref_slice %arg2[%add3A_9, %dma_start3A_12] : memref<4096x2048xf32, #tpu.memory_space<hbm>> -> memref<16x2048xf32, #tpu.memory_space<hbm>>
    tpu.enqueue_dma source(%dma_start3A_13 : memref<16x2048xf32, #tpu.memory_space<hbm>>) target(%arg5 : memref<16x2048xf32, #tpu.memory_space<vmem>>) target_semaphore(%arg8 : memref<!tpu.dma_semaphore, #tpu.memory_space<semaphore_mem>>)
    %add3A_14 = arith.constant 32 : i32
    %add3A_15 = arith.addi %mul3A_2, %add3A_14 : i32
    %dma_start3A_16 = arith.constant 0 : i32
    %dma_start3A_17 = tpu.memref_slice %arg2[%add3A_15, %dma_start3A_16] : memref<4096x2048xf32, #tpu.memory_space<hbm>> -> memref<16x2048xf32, #tpu.memory_space<hbm>>
    %dma_start3A_18 = arith.constant 0 : i32
    %dma_start3A_19 = tpu.memref_slice %arg2[%add3A_15, %dma_start3A_18] : memref<4096x2048xf32, #tpu.memory_space<hbm>> -> memref<16x2048xf32, #tpu.memory_space<hbm>>
    tpu.enqueue_dma source(%dma_start3A_19 : memref<16x2048xf32, #tpu.memory_space<hbm>>) target(%arg6 : memref<16x2048xf32, #tpu.memory_space<vmem>>) target_semaphore(%arg9 : memref<!tpu.dma_semaphore, #tpu.memory_space<semaphore_mem>>)
    %dma_wait3A = arith.constant 0 : i32
    %dma_wait3A_20 = tpu.memref_slice %arg2[%add3A_4, %dma_wait3A] : memref<4096x2048xf32, #tpu.memory_space<hbm>> -> memref<16x2048xf32, #tpu.memory_space<hbm>>
    %dma_wait3A_21 = arith.constant 0 : i32
    %dma_wait3A_22 = tpu.memref_slice %arg2[%add3A_4, %dma_wait3A_21] : memref<4096x2048xf32, #tpu.memory_space<hbm>> -> memref<16x2048xf32, #tpu.memory_space<hbm>>
    tpu.wait_dma2 semaphore(%arg7 : memref<!tpu.dma_semaphore, #tpu.memory_space<semaphore_mem>>) src(%dma_wait3A_22 : memref<16x2048xf32, #tpu.memory_space<hbm>>) dst(%arg4 : memref<16x2048xf32, #tpu.memory_space<vmem>>)
    %add3A_23 = arith.constant 0 : i32
    %add3A_24 = arith.addi %mul3A_2, %add3A_23 : i32
    %add3A_25 = arith.constant 0 : i32
    %add3A_26 = arith.addi %add3A_25, %add3A_24 : i32
    %dma_start3A_27 = arith.constant 0 : i32
    %dma_start3A_28 = tpu.memref_slice %arg3[%add3A_26, %dma_start3A_27] : memref<8192x2048xf32, #tpu.memory_space<hbm>> -> memref<16x2048xf32, #tpu.memory_space<hbm>>
    %dma_start3A_29 = arith.constant 0 : i32
    %dma_start3A_30 = tpu.memref_slice %arg3[%add3A_26, %dma_start3A_29] : memref<8192x2048xf32, #tpu.memory_space<hbm>> -> memref<16x2048xf32, #tpu.memory_space<hbm>>
    tpu.enqueue_dma source(%arg4 : memref<16x2048xf32, #tpu.memory_space<vmem>>) target(%dma_start3A_30 : memref<16x2048xf32, #tpu.memory_space<hbm>>) target_semaphore(%arg10 : memref<!tpu.dma_semaphore, #tpu.memory_space<semaphore_mem>>)
    %add3A_31 = arith.constant 2048 : i32
    %add3A_32 = arith.addi %add3A_31, %add3A_24 : i32
    %dma_start3A_33 = arith.constant 0 : i32
    %dma_start3A_34 = tpu.memref_slice %arg3[%add3A_32, %dma_start3A_33] : memref<8192x2048xf32, #tpu.memory_space<hbm>> -> memref<16x2048xf32, #tpu.memory_space<hbm>>
    %dma_start3A_35 = arith.constant 0 : i32
    %dma_start3A_36 = tpu.memref_slice %arg3[%add3A_32, %dma_start3A_35] : memref<8192x2048xf32, #tpu.memory_space<hbm>> -> memref<16x2048xf32, #tpu.memory_space<hbm>>
    tpu.enqueue_dma source(%arg4 : memref<16x2048xf32, #tpu.memory_space<vmem>>) target(%dma_start3A_36 : memref<16x2048xf32, #tpu.memory_space<hbm>>) target_semaphore(%arg10 : memref<!tpu.dma_semaphore, #tpu.memory_space<semaphore_mem>>)
    %add3A_37 = arith.constant 4096 : i32
    %add3A_38 = arith.addi %add3A_37, %add3A_24 : i32
    %dma_start3A_39 = arith.constant 0 : i32
    %dma_start3A_40 = tpu.memref_slice %arg3[%add3A_38, %dma_start3A_39] : memref<8192x2048xf32, #tpu.memory_space<hbm>> -> memref<16x2048xf32, #tpu.memory_space<hbm>>
    %dma_start3A_41 = arith.constant 0 : i32
    %dma_start3A_42 = tpu.memref_slice %arg3[%add3A_38, %dma_start3A_41] : memref<8192x2048xf32, #tpu.memory_space<hbm>> -> memref<16x2048xf32, #tpu.memory_space<hbm>>
    tpu.enqueue_dma source(%arg4 : memref<16x2048xf32, #tpu.memory_space<vmem>>) target(%dma_start3A_42 : memref<16x2048xf32, #tpu.memory_space<hbm>>) target_semaphore(%arg10 : memref<!tpu.dma_semaphore, #tpu.memory_space<semaphore_mem>>)
    %add3A_43 = arith.constant 6144 : i32
    %add3A_44 = arith.addi %add3A_43, %add3A_24 : i32
    %dma_start3A_45 = arith.constant 0 : i32
    %dma_start3A_46 = tpu.memref_slice %arg3[%add3A_44, %dma_start3A_45] : memref<8192x2048xf32, #tpu.memory_space<hbm>> -> memref<16x2048xf32, #tpu.memory_space<hbm>>
    %dma_start3A_47 = arith.constant 0 : i32
    %dma_start3A_48 = tpu.memref_slice %arg3[%add3A_44, %dma_start3A_47] : memref<8192x2048xf32, #tpu.memory_space<hbm>> -> memref<16x2048xf32, #tpu.memory_space<hbm>>
    tpu.enqueue_dma source(%arg4 : memref<16x2048xf32, #tpu.memory_space<vmem>>) target(%dma_start3A_48 : memref<16x2048xf32, #tpu.memory_space<hbm>>) target_semaphore(%arg10 : memref<!tpu.dma_semaphore, #tpu.memory_space<semaphore_mem>>)
    %dma_wait3A_49 = arith.constant 0 : i32
    %dma_wait3A_50 = tpu.memref_slice %arg2[%add3A_9, %dma_wait3A_49] : memref<4096x2048xf32, #tpu.memory_space<hbm>> -> memref<16x2048xf32, #tpu.memory_space<hbm>>
    %dma_wait3A_51 = arith.constant 0 : i32
    %dma_wait3A_52 = tpu.memref_slice %arg2[%add3A_9, %dma_wait3A_51] : memref<4096x2048xf32, #tpu.memory_space<hbm>> -> memref<16x2048xf32, #tpu.memory_space<hbm>>
    tpu.wait_dma2 semaphore(%arg8 : memref<!tpu.dma_semaphore, #tpu.memory_space<semaphore_mem>>) src(%dma_wait3A_52 : memref<16x2048xf32, #tpu.memory_space<hbm>>) dst(%arg5 : memref<16x2048xf32, #tpu.memory_space<vmem>>)
    %add3A_53 = arith.constant 16 : i32
    %add3A_54 = arith.addi %mul3A_2, %add3A_53 : i32
    %add3A_55 = arith.constant 0 : i32
    %add3A_56 = arith.addi %add3A_55, %add3A_54 : i32
    %dma_start3A_57 = arith.constant 0 : i32
    %dma_start3A_58 = tpu.memref_slice %arg3[%add3A_56, %dma_start3A_57] : memref<8192x2048xf32, #tpu.memory_space<hbm>> -> memref<16x2048xf32, #tpu.memory_space<hbm>>
    %dma_start3A_59 = arith.constant 0 : i32
    %dma_start3A_60 = tpu.memref_slice %arg3[%add3A_56, %dma_start3A_59] : memref<8192x2048xf32, #tpu.memory_space<hbm>> -> memref<16x2048xf32, #tpu.memory_space<hbm>>
    tpu.enqueue_dma source(%arg5 : memref<16x2048xf32, #tpu.memory_space<vmem>>) target(%dma_start3A_60 : memref<16x2048xf32, #tpu.memory_space<hbm>>) target_semaphore(%arg11 : memref<!tpu.dma_semaphore, #tpu.memory_space<semaphore_mem>>)
    %add3A_61 = arith.constant 2048 : i32
    %add3A_62 = arith.addi %add3A_61, %add3A_54 : i32
    %dma_start3A_63 = arith.constant 0 : i32
    %dma_start3A_64 = tpu.memref_slice %arg3[%add3A_62, %dma_start3A_63] : memref<8192x2048xf32, #tpu.memory_space<hbm>> -> memref<16x2048xf32, #tpu.memory_space<hbm>>
    %dma_start3A_65 = arith.constant 0 : i32
    %dma_start3A_66 = tpu.memref_slice %arg3[%add3A_62, %dma_start3A_65] : memref<8192x2048xf32, #tpu.memory_space<hbm>> -> memref<16x2048xf32, #tpu.memory_space<hbm>>
    tpu.enqueue_dma source(%arg5 : memref<16x2048xf32, #tpu.memory_space<vmem>>) target(%dma_start3A_66 : memref<16x2048xf32, #tpu.memory_space<hbm>>) target_semaphore(%arg11 : memref<!tpu.dma_semaphore, #tpu.memory_space<semaphore_mem>>)
    %add3A_67 = arith.constant 4096 : i32
    %add3A_68 = arith.addi %add3A_67, %add3A_54 : i32
    %dma_start3A_69 = arith.constant 0 : i32
    %dma_start3A_70 = tpu.memref_slice %arg3[%add3A_68, %dma_start3A_69] : memref<8192x2048xf32, #tpu.memory_space<hbm>> -> memref<16x2048xf32, #tpu.memory_space<hbm>>
    %dma_start3A_71 = arith.constant 0 : i32
    %dma_start3A_72 = tpu.memref_slice %arg3[%add3A_68, %dma_start3A_71] : memref<8192x2048xf32, #tpu.memory_space<hbm>> -> memref<16x2048xf32, #tpu.memory_space<hbm>>
    tpu.enqueue_dma source(%arg5 : memref<16x2048xf32, #tpu.memory_space<vmem>>) target(%dma_start3A_72 : memref<16x2048xf32, #tpu.memory_space<hbm>>) target_semaphore(%arg11 : memref<!tpu.dma_semaphore, #tpu.memory_space<semaphore_mem>>)
    %add3A_73 = arith.constant 6144 : i32
    %add3A_74 = arith.addi %add3A_73, %add3A_54 : i32
    %dma_start3A_75 = arith.constant 0 : i32
    %dma_start3A_76 = tpu.memref_slice %arg3[%add3A_74, %dma_start3A_75] : memref<8192x2048xf32, #tpu.memory_space<hbm>> -> memref<16x2048xf32, #tpu.memory_space<hbm>>
    %dma_start3A_77 = arith.constant 0 : i32
    %dma_start3A_78 = tpu.memref_slice %arg3[%add3A_74, %dma_start3A_77] : memref<8192x2048xf32, #tpu.memory_space<hbm>> -> memref<16x2048xf32, #tpu.memory_space<hbm>>
    tpu.enqueue_dma source(%arg5 : memref<16x2048xf32, #tpu.memory_space<vmem>>) target(%dma_start3A_78 : memref<16x2048xf32, #tpu.memory_space<hbm>>) target_semaphore(%arg11 : memref<!tpu.dma_semaphore, #tpu.memory_space<semaphore_mem>>)
    %dma_wait3A_79 = arith.constant 0 : i32
    %dma_wait3A_80 = tpu.memref_slice %arg3[%add3A_26, %dma_wait3A_79] : memref<8192x2048xf32, #tpu.memory_space<hbm>> -> memref<16x2048xf32, #tpu.memory_space<hbm>>
    %dma_wait3A_81 = arith.constant 0 : i32
    %dma_wait3A_82 = tpu.memref_slice %arg3[%add3A_26, %dma_wait3A_81] : memref<8192x2048xf32, #tpu.memory_space<hbm>> -> memref<16x2048xf32, #tpu.memory_space<hbm>>
    tpu.wait_dma2 semaphore(%arg10 : memref<!tpu.dma_semaphore, #tpu.memory_space<semaphore_mem>>) src(%arg4 : memref<16x2048xf32, #tpu.memory_space<vmem>>) dst(%dma_wait3A_82 : memref<16x2048xf32, #tpu.memory_space<hbm>>)
    %dma_wait3A_83 = arith.constant 0 : i32
    %dma_wait3A_84 = tpu.memref_slice %arg3[%add3A_32, %dma_wait3A_83] : memref<8192x2048xf32, #tpu.memory_space<hbm>> -> memref<16x2048xf32, #tpu.memory_space<hbm>>
    %dma_wait3A_85 = arith.constant 0 : i32
    %dma_wait3A_86 = tpu.memref_slice %arg3[%add3A_32, %dma_wait3A_85] : memref<8192x2048xf32, #tpu.memory_space<hbm>> -> memref<16x2048xf32, #tpu.memory_space<hbm>>
    tpu.wait_dma2 semaphore(%arg10 : memref<!tpu.dma_semaphore, #tpu.memory_space<semaphore_mem>>) src(%arg4 : memref<16x2048xf32, #tpu.memory_space<vmem>>) dst(%dma_wait3A_86 : memref<16x2048xf32, #tpu.memory_space<hbm>>)
    %dma_wait3A_87 = arith.constant 0 : i32
    %dma_wait3A_88 = tpu.memref_slice %arg3[%add3A_38, %dma_wait3A_87] : memref<8192x2048xf32, #tpu.memory_space<hbm>> -> memref<16x2048xf32, #tpu.memory_space<hbm>>
    %dma_wait3A_89 = arith.constant 0 : i32
    %dma_wait3A_90 = tpu.memref_slice %arg3[%add3A_38, %dma_wait3A_89] : memref<8192x2048xf32, #tpu.memory_space<hbm>> -> memref<16x2048xf32, #tpu.memory_space<hbm>>
    tpu.wait_dma2 semaphore(%arg10 : memref<!tpu.dma_semaphore, #tpu.memory_space<semaphore_mem>>) src(%arg4 : memref<16x2048xf32, #tpu.memory_space<vmem>>) dst(%dma_wait3A_90 : memref<16x2048xf32, #tpu.memory_space<hbm>>)
    %dma_wait3A_91 = arith.constant 0 : i32
    %dma_wait3A_92 = tpu.memref_slice %arg3[%add3A_44, %dma_wait3A_91] : memref<8192x2048xf32, #tpu.memory_space<hbm>> -> memref<16x2048xf32, #tpu.memory_space<hbm>>
    %dma_wait3A_93 = arith.constant 0 : i32
    %dma_wait3A_94 = tpu.memref_slice %arg3[%add3A_44, %dma_wait3A_93] : memref<8192x2048xf32, #tpu.memory_space<hbm>> -> memref<16x2048xf32, #tpu.memory_space<hbm>>
    tpu.wait_dma2 semaphore(%arg10 : memref<!tpu.dma_semaphore, #tpu.memory_space<semaphore_mem>>) src(%arg4 : memref<16x2048xf32, #tpu.memory_space<vmem>>) dst(%dma_wait3A_94 : memref<16x2048xf32, #tpu.memory_space<hbm>>)
    %add3A_95 = arith.constant 48 : i32
    %add3A_96 = arith.addi %mul3A_2, %add3A_95 : i32
    %dma_start3A_97 = arith.constant 0 : i32
    %dma_start3A_98 = tpu.memref_slice %arg2[%add3A_96, %dma_start3A_97] : memref<4096x2048xf32, #tpu.memory_space<hbm>> -> memref<16x2048xf32, #tpu.memory_space<hbm>>
    %dma_start3A_99 = arith.constant 0 : i32
    %dma_start3A_100 = tpu.memref_slice %arg2[%add3A_96, %dma_start3A_99] : memref<4096x2048xf32, #tpu.memory_space<hbm>> -> memref<16x2048xf32, #tpu.memory_space<hbm>>
    tpu.enqueue_dma source(%dma_start3A_100 : memref<16x2048xf32, #tpu.memory_space<hbm>>) target(%arg4 : memref<16x2048xf32, #tpu.memory_space<vmem>>) target_semaphore(%arg7 : memref<!tpu.dma_semaphore, #tpu.memory_space<semaphore_mem>>)
    %dma_wait3A_101 = arith.constant 0 : i32
    %dma_wait3A_102 = tpu.memref_slice %arg2[%add3A_15, %dma_wait3A_101] : memref<4096x2048xf32, #tpu.memory_space<hbm>> -> memref<16x2048xf32, #tpu.memory_space<hbm>>
    %dma_wait3A_103 = arith.constant 0 : i32
    %dma_wait3A_104 = tpu.memref_slice %arg2[%add3A_15, %dma_wait3A_103] : memref<4096x2048xf32, #tpu.memory_space<hbm>> -> memref<16x2048xf32, #tpu.memory_space<hbm>>
    tpu.wait_dma2 semaphore(%arg9 : memref<!tpu.dma_semaphore, #tpu.memory_space<semaphore_mem>>) src(%dma_wait3A_104 : memref<16x2048xf32, #tpu.memory_space<hbm>>) dst(%arg6 : memref<16x2048xf32, #tpu.memory_space<vmem>>)
    %add3A_105 = arith.constant 32 : i32
    %add3A_106 = arith.addi %mul3A_2, %add3A_105 : i32
    %add3A_107 = arith.constant 0 : i32
    %add3A_108 = arith.addi %add3A_107, %add3A_106 : i32
    %dma_start3A_109 = arith.constant 0 : i32
    %dma_start3A_110 = tpu.memref_slice %arg3[%add3A_108, %dma_start3A_109] : memref<8192x2048xf32, #tpu.memory_space<hbm>> -> memref<16x2048xf32, #tpu.memory_space<hbm>>
    %dma_start3A_111 = arith.constant 0 : i32
    %dma_start3A_112 = tpu.memref_slice %arg3[%add3A_108, %dma_start3A_111] : memref<8192x2048xf32, #tpu.memory_space<hbm>> -> memref<16x2048xf32, #tpu.memory_space<hbm>>
    tpu.enqueue_dma source(%arg6 : memref<16x2048xf32, #tpu.memory_space<vmem>>) target(%dma_start3A_112 : memref<16x2048xf32, #tpu.memory_space<hbm>>) target_semaphore(%arg12 : memref<!tpu.dma_semaphore, #tpu.memory_space<semaphore_mem>>)
    %add3A_113 = arith.constant 2048 : i32
    %add3A_114 = arith.addi %add3A_113, %add3A_106 : i32
    %dma_start3A_115 = arith.constant 0 : i32
    %dma_start3A_116 = tpu.memref_slice %arg3[%add3A_114, %dma_start3A_115] : memref<8192x2048xf32, #tpu.memory_space<hbm>> -> memref<16x2048xf32, #tpu.memory_space<hbm>>
    %dma_start3A_117 = arith.constant 0 : i32
    %dma_start3A_118 = tpu.memref_slice %arg3[%add3A_114, %dma_start3A_117] : memref<8192x2048xf32, #tpu.memory_space<hbm>> -> memref<16x2048xf32, #tpu.memory_space<hbm>>
    tpu.enqueue_dma source(%arg6 : memref<16x2048xf32, #tpu.memory_space<vmem>>) target(%dma_start3A_118 : memref<16x2048xf32, #tpu.memory_space<hbm>>) target_semaphore(%arg12 : memref<!tpu.dma_semaphore, #tpu.memory_space<semaphore_mem>>)
    %add3A_119 = arith.constant 4096 : i32
    %add3A_120 = arith.addi %add3A_119, %add3A_106 : i32
    %dma_start3A_121 = arith.constant 0 : i32
    %dma_start3A_122 = tpu.memref_slice %arg3[%add3A_120, %dma_start3A_121] : memref<8192x2048xf32, #tpu.memory_space<hbm>> -> memref<16x2048xf32, #tpu.memory_space<hbm>>
    %dma_start3A_123 = arith.constant 0 : i32
    %dma_start3A_124 = tpu.memref_slice %arg3[%add3A_120, %dma_start3A_123] : memref<8192x2048xf32, #tpu.memory_space<hbm>> -> memref<16x2048xf32, #tpu.memory_space<hbm>>
    tpu.enqueue_dma source(%arg6 : memref<16x2048xf32, #tpu.memory_space<vmem>>) target(%dma_start3A_124 : memref<16x2048xf32, #tpu.memory_space<hbm>>) target_semaphore(%arg12 : memref<!tpu.dma_semaphore, #tpu.memory_space<semaphore_mem>>)
    %add3A_125 = arith.constant 6144 : i32
    %add3A_126 = arith.addi %add3A_125, %add3A_106 : i32
    %dma_start3A_127 = arith.constant 0 : i32
    %dma_start3A_128 = tpu.memref_slice %arg3[%add3A_126, %dma_start3A_127] : memref<8192x2048xf32, #tpu.memory_space<hbm>> -> memref<16x2048xf32, #tpu.memory_space<hbm>>
    %dma_start3A_129 = arith.constant 0 : i32
    %dma_start3A_130 = tpu.memref_slice %arg3[%add3A_126, %dma_start3A_129] : memref<8192x2048xf32, #tpu.memory_space<hbm>> -> memref<16x2048xf32, #tpu.memory_space<hbm>>
    tpu.enqueue_dma source(%arg6 : memref<16x2048xf32, #tpu.memory_space<vmem>>) target(%dma_start3A_130 : memref<16x2048xf32, #tpu.memory_space<hbm>>) target_semaphore(%arg12 : memref<!tpu.dma_semaphore, #tpu.memory_space<semaphore_mem>>)
    %dma_wait3A_131 = arith.constant 0 : i32
    %dma_wait3A_132 = tpu.memref_slice %arg2[%add3A_96, %dma_wait3A_131] : memref<4096x2048xf32, #tpu.memory_space<hbm>> -> memref<16x2048xf32, #tpu.memory_space<hbm>>
    %dma_wait3A_133 = arith.constant 0 : i32
    %dma_wait3A_134 = tpu.memref_slice %arg2[%add3A_96, %dma_wait3A_133] : memref<4096x2048xf32, #tpu.memory_space<hbm>> -> memref<16x2048xf32, #tpu.memory_space<hbm>>
    tpu.wait_dma2 semaphore(%arg7 : memref<!tpu.dma_semaphore, #tpu.memory_space<semaphore_mem>>) src(%dma_wait3A_134 : memref<16x2048xf32, #tpu.memory_space<hbm>>) dst(%arg4 : memref<16x2048xf32, #tpu.memory_space<vmem>>)
    %add3A_135 = arith.constant 48 : i32
    %add3A_136 = arith.addi %mul3A_2, %add3A_135 : i32
    %add3A_137 = arith.constant 0 : i32
    %add3A_138 = arith.addi %add3A_137, %add3A_136 : i32
    %dma_start3A_139 = arith.constant 0 : i32
    %dma_start3A_140 = tpu.memref_slice %arg3[%add3A_138, %dma_start3A_139] : memref<8192x2048xf32, #tpu.memory_space<hbm>> -> memref<16x2048xf32, #tpu.memory_space<hbm>>
    %dma_start3A_141 = arith.constant 0 : i32
    %dma_start3A_142 = tpu.memref_slice %arg3[%add3A_138, %dma_start3A_141] : memref<8192x2048xf32, #tpu.memory_space<hbm>> -> memref<16x2048xf32, #tpu.memory_space<hbm>>
    tpu.enqueue_dma source(%arg4 : memref<16x2048xf32, #tpu.memory_space<vmem>>) target(%dma_start3A_142 : memref<16x2048xf32, #tpu.memory_space<hbm>>) target_semaphore(%arg10 : memref<!tpu.dma_semaphore, #tpu.memory_space<semaphore_mem>>)
    %add3A_143 = arith.constant 2048 : i32
    %add3A_144 = arith.addi %add3A_143, %add3A_136 : i32
    %dma_start3A_145 = arith.constant 0 : i32
    %dma_start3A_146 = tpu.memref_slice %arg3[%add3A_144, %dma_start3A_145] : memref<8192x2048xf32, #tpu.memory_space<hbm>> -> memref<16x2048xf32, #tpu.memory_space<hbm>>
    %dma_start3A_147 = arith.constant 0 : i32
    %dma_start3A_148 = tpu.memref_slice %arg3[%add3A_144, %dma_start3A_147] : memref<8192x2048xf32, #tpu.memory_space<hbm>> -> memref<16x2048xf32, #tpu.memory_space<hbm>>
    tpu.enqueue_dma source(%arg4 : memref<16x2048xf32, #tpu.memory_space<vmem>>) target(%dma_start3A_148 : memref<16x2048xf32, #tpu.memory_space<hbm>>) target_semaphore(%arg10 : memref<!tpu.dma_semaphore, #tpu.memory_space<semaphore_mem>>)
    %add3A_149 = arith.constant 4096 : i32
    %add3A_150 = arith.addi %add3A_149, %add3A_136 : i32
    %dma_start3A_151 = arith.constant 0 : i32
    %dma_start3A_152 = tpu.memref_slice %arg3[%add3A_150, %dma_start3A_151] : memref<8192x2048xf32, #tpu.memory_space<hbm>> -> memref<16x2048xf32, #tpu.memory_space<hbm>>
    %dma_start3A_153 = arith.constant 0 : i32
    %dma_start3A_154 = tpu.memref_slice %arg3[%add3A_150, %dma_start3A_153] : memref<8192x2048xf32, #tpu.memory_space<hbm>> -> memref<16x2048xf32, #tpu.memory_space<hbm>>
    tpu.enqueue_dma source(%arg4 : memref<16x2048xf32, #tpu.memory_space<vmem>>) target(%dma_start3A_154 : memref<16x2048xf32, #tpu.memory_space<hbm>>) target_semaphore(%arg10 : memref<!tpu.dma_semaphore, #tpu.memory_space<semaphore_mem>>)
    %add3A_155 = arith.constant 6144 : i32
    %add3A_156 = arith.addi %add3A_155, %add3A_136 : i32
    %dma_start3A_157 = arith.constant 0 : i32
    %dma_start3A_158 = tpu.memref_slice %arg3[%add3A_156, %dma_start3A_157] : memref<8192x2048xf32, #tpu.memory_space<hbm>> -> memref<16x2048xf32, #tpu.memory_space<hbm>>
    %dma_start3A_159 = arith.constant 0 : i32
    %dma_start3A_160 = tpu.memref_slice %arg3[%add3A_156, %dma_start3A_159] : memref<8192x2048xf32, #tpu.memory_space<hbm>> -> memref<16x2048xf32, #tpu.memory_space<hbm>>
    tpu.enqueue_dma source(%arg4 : memref<16x2048xf32, #tpu.memory_space<vmem>>) target(%dma_start3A_160 : memref<16x2048xf32, #tpu.memory_space<hbm>>) target_semaphore(%arg10 : memref<!tpu.dma_semaphore, #tpu.memory_space<semaphore_mem>>)
    %dma_wait3A_161 = arith.constant 0 : i32
    %dma_wait3A_162 = tpu.memref_slice %arg3[%add3A_56, %dma_wait3A_161] : memref<8192x2048xf32, #tpu.memory_space<hbm>> -> memref<16x2048xf32, #tpu.memory_space<hbm>>
    %dma_wait3A_163 = arith.constant 0 : i32
    %dma_wait3A_164 = tpu.memref_slice %arg3[%add3A_56, %dma_wait3A_163] : memref<8192x2048xf32, #tpu.memory_space<hbm>> -> memref<16x2048xf32, #tpu.memory_space<hbm>>
    tpu.wait_dma2 semaphore(%arg11 : memref<!tpu.dma_semaphore, #tpu.memory_space<semaphore_mem>>) src(%arg5 : memref<16x2048xf32, #tpu.memory_space<vmem>>) dst(%dma_wait3A_164 : memref<16x2048xf32, #tpu.memory_space<hbm>>)
    %dma_wait3A_165 = arith.constant 0 : i32
    %dma_wait3A_166 = tpu.memref_slice %arg3[%add3A_62, %dma_wait3A_165] : memref<8192x2048xf32, #tpu.memory_space<hbm>> -> memref<16x2048xf32, #tpu.memory_space<hbm>>
    %dma_wait3A_167 = arith.constant 0 : i32
    %dma_wait3A_168 = tpu.memref_slice %arg3[%add3A_62, %dma_wait3A_167] : memref<8192x2048xf32, #tpu.memory_space<hbm>> -> memref<16x2048xf32, #tpu.memory_space<hbm>>
    tpu.wait_dma2 semaphore(%arg11 : memref<!tpu.dma_semaphore, #tpu.memory_space<semaphore_mem>>) src(%arg5 : memref<16x2048xf32, #tpu.memory_space<vmem>>) dst(%dma_wait3A_168 : memref<16x2048xf32, #tpu.memory_space<hbm>>)
    %dma_wait3A_169 = arith.constant 0 : i32
    %dma_wait3A_170 = tpu.memref_slice %arg3[%add3A_68, %dma_wait3A_169] : memref<8192x2048xf32, #tpu.memory_space<hbm>> -> memref<16x2048xf32, #tpu.memory_space<hbm>>
    %dma_wait3A_171 = arith.constant 0 : i32
    %dma_wait3A_172 = tpu.memref_slice %arg3[%add3A_68, %dma_wait3A_171] : memref<8192x2048xf32, #tpu.memory_space<hbm>> -> memref<16x2048xf32, #tpu.memory_space<hbm>>
    tpu.wait_dma2 semaphore(%arg11 : memref<!tpu.dma_semaphore, #tpu.memory_space<semaphore_mem>>) src(%arg5 : memref<16x2048xf32, #tpu.memory_space<vmem>>) dst(%dma_wait3A_172 : memref<16x2048xf32, #tpu.memory_space<hbm>>)
    %dma_wait3A_173 = arith.constant 0 : i32
    %dma_wait3A_174 = tpu.memref_slice %arg3[%add3A_74, %dma_wait3A_173] : memref<8192x2048xf32, #tpu.memory_space<hbm>> -> memref<16x2048xf32, #tpu.memory_space<hbm>>
    %dma_wait3A_175 = arith.constant 0 : i32
    %dma_wait3A_176 = tpu.memref_slice %arg3[%add3A_74, %dma_wait3A_175] : memref<8192x2048xf32, #tpu.memory_space<hbm>> -> memref<16x2048xf32, #tpu.memory_space<hbm>>
    tpu.wait_dma2 semaphore(%arg11 : memref<!tpu.dma_semaphore, #tpu.memory_space<semaphore_mem>>) src(%arg5 : memref<16x2048xf32, #tpu.memory_space<vmem>>) dst(%dma_wait3A_176 : memref<16x2048xf32, #tpu.memory_space<hbm>>)
    %dma_wait3A_177 = arith.constant 0 : i32
    %dma_wait3A_178 = tpu.memref_slice %arg3[%add3A_108, %dma_wait3A_177] : memref<8192x2048xf32, #tpu.memory_space<hbm>> -> memref<16x2048xf32, #tpu.memory_space<hbm>>
    %dma_wait3A_179 = arith.constant 0 : i32
    %dma_wait3A_180 = tpu.memref_slice %arg3[%add3A_108, %dma_wait3A_179] : memref<8192x2048xf32, #tpu.memory_space<hbm>> -> memref<16x2048xf32, #tpu.memory_space<hbm>>
    tpu.wait_dma2 semaphore(%arg12 : memref<!tpu.dma_semaphore, #tpu.memory_space<semaphore_mem>>) src(%arg6 : memref<16x2048xf32, #tpu.memory_space<vmem>>) dst(%dma_wait3A_180 : memref<16x2048xf32, #tpu.memory_space<hbm>>)
    %dma_wait3A_181 = arith.constant 0 : i32
    %dma_wait3A_182 = tpu.memref_slice %arg3[%add3A_114, %dma_wait3A_181] : memref<8192x2048xf32, #tpu.memory_space<hbm>> -> memref<16x2048xf32, #tpu.memory_space<hbm>>
    %dma_wait3A_183 = arith.constant 0 : i32
    %dma_wait3A_184 = tpu.memref_slice %arg3[%add3A_114, %dma_wait3A_183] : memref<8192x2048xf32, #tpu.memory_space<hbm>> -> memref<16x2048xf32, #tpu.memory_space<hbm>>
    tpu.wait_dma2 semaphore(%arg12 : memref<!tpu.dma_semaphore, #tpu.memory_space<semaphore_mem>>) src(%arg6 : memref<16x2048xf32, #tpu.memory_space<vmem>>) dst(%dma_wait3A_184 : memref<16x2048xf32, #tpu.memory_space<hbm>>)
    %dma_wait3A_185 = arith.constant 0 : i32
    %dma_wait3A_186 = tpu.memref_slice %arg3[%add3A_120, %dma_wait3A_185] : memref<8192x2048xf32, #tpu.memory_space<hbm>> -> memref<16x2048xf32, #tpu.memory_space<hbm>>
    %dma_wait3A_187 = arith.constant 0 : i32
    %dma_wait3A_188 = tpu.memref_slice %arg3[%add3A_120, %dma_wait3A_187] : memref<8192x2048xf32, #tpu.memory_space<hbm>> -> memref<16x2048xf32, #tpu.memory_space<hbm>>
    tpu.wait_dma2 semaphore(%arg12 : memref<!tpu.dma_semaphore, #tpu.memory_space<semaphore_mem>>) src(%arg6 : memref<16x2048xf32, #tpu.memory_space<vmem>>) dst(%dma_wait3A_188 : memref<16x2048xf32, #tpu.memory_space<hbm>>)
    %dma_wait3A_189 = arith.constant 0 : i32
    %dma_wait3A_190 = tpu.memref_slice %arg3[%add3A_126, %dma_wait3A_189] : memref<8192x2048xf32, #tpu.memory_space<hbm>> -> memref<16x2048xf32, #tpu.memory_space<hbm>>
    %dma_wait3A_191 = arith.constant 0 : i32
    %dma_wait3A_192 = tpu.memref_slice %arg3[%add3A_126, %dma_wait3A_191] : memref<8192x2048xf32, #tpu.memory_space<hbm>> -> memref<16x2048xf32, #tpu.memory_space<hbm>>
    tpu.wait_dma2 semaphore(%arg12 : memref<!tpu.dma_semaphore, #tpu.memory_space<semaphore_mem>>) src(%arg6 : memref<16x2048xf32, #tpu.memory_space<vmem>>) dst(%dma_wait3A_192 : memref<16x2048xf32, #tpu.memory_space<hbm>>)
    %dma_wait3A_193 = arith.constant 0 : i32
    %dma_wait3A_194 = tpu.memref_slice %arg3[%add3A_138, %dma_wait3A_193] : memref<8192x2048xf32, #tpu.memory_space<hbm>> -> memref<16x2048xf32, #tpu.memory_space<hbm>>
    %dma_wait3A_195 = arith.constant 0 : i32
    %dma_wait3A_196 = tpu.memref_slice %arg3[%add3A_138, %dma_wait3A_195] : memref<8192x2048xf32, #tpu.memory_space<hbm>> -> memref<16x2048xf32, #tpu.memory_space<hbm>>
    tpu.wait_dma2 semaphore(%arg10 : memref<!tpu.dma_semaphore, #tpu.memory_space<semaphore_mem>>) src(%arg4 : memref<16x2048xf32, #tpu.memory_space<vmem>>) dst(%dma_wait3A_196 : memref<16x2048xf32, #tpu.memory_space<hbm>>)
    %dma_wait3A_197 = arith.constant 0 : i32
    %dma_wait3A_198 = tpu.memref_slice %arg3[%add3A_144, %dma_wait3A_197] : memref<8192x2048xf32, #tpu.memory_space<hbm>> -> memref<16x2048xf32, #tpu.memory_space<hbm>>
    %dma_wait3A_199 = arith.constant 0 : i32
    %dma_wait3A_200 = tpu.memref_slice %arg3[%add3A_144, %dma_wait3A_199] : memref<8192x2048xf32, #tpu.memory_space<hbm>> -> memref<16x2048xf32, #tpu.memory_space<hbm>>
    tpu.wait_dma2 semaphore(%arg10 : memref<!tpu.dma_semaphore, #tpu.memory_space<semaphore_mem>>) src(%arg4 : memref<16x2048xf32, #tpu.memory_space<vmem>>) dst(%dma_wait3A_200 : memref<16x2048xf32, #tpu.memory_space<hbm>>)
    %dma_wait3A_201 = arith.constant 0 : i32
    %dma_wait3A_202 = tpu.memref_slice %arg3[%add3A_150, %dma_wait3A_201] : memref<8192x2048xf32, #tpu.memory_space<hbm>> -> memref<16x2048xf32, #tpu.memory_space<hbm>>
    %dma_wait3A_203 = arith.constant 0 : i32
    %dma_wait3A_204 = tpu.memref_slice %arg3[%add3A_150, %dma_wait3A_203] : memref<8192x2048xf32, #tpu.memory_space<hbm>> -> memref<16x2048xf32, #tpu.memory_space<hbm>>
    tpu.wait_dma2 semaphore(%arg10 : memref<!tpu.dma_semaphore, #tpu.memory_space<semaphore_mem>>) src(%arg4 : memref<16x2048xf32, #tpu.memory_space<vmem>>) dst(%dma_wait3A_204 : memref<16x2048xf32, #tpu.memory_space<hbm>>)
    %dma_wait3A_205 = arith.constant 0 : i32
    %dma_wait3A_206 = tpu.memref_slice %arg3[%add3A_156, %dma_wait3A_205] : memref<8192x2048xf32, #tpu.memory_space<hbm>> -> memref<16x2048xf32, #tpu.memory_space<hbm>>
    %dma_wait3A_207 = arith.constant 0 : i32
    %dma_wait3A_208 = tpu.memref_slice %arg3[%add3A_156, %dma_wait3A_207] : memref<8192x2048xf32, #tpu.memory_space<hbm>> -> memref<16x2048xf32, #tpu.memory_space<hbm>>
    tpu.wait_dma2 semaphore(%arg10 : memref<!tpu.dma_semaphore, #tpu.memory_space<semaphore_mem>>) src(%arg4 : memref<16x2048xf32, #tpu.memory_space<vmem>>) dst(%dma_wait3A_208 : memref<16x2048xf32, #tpu.memory_space<hbm>>)
    return
  }
}

</mosaic_0001>

<sc_bundles>
// kernel: kernel.3.cloned.1.call-start
scs
__scs_entry_jumppad:
0x0: {  	(pc) =	sbr.rel $0x88, $3  }
0x1: {  	(tag) =	ssettag $0x0;
	lr =	simm.s32 $0x1  }
0x2: {  	[smem:$0x3FA0] =	sst lr;
	_ =	strace $0xD0000000  }
0x3: {  	_ = 	snop  }
0x4: {  	_ = 	snop  }
0x5: {  	_ = 	snop  }
0x6: {  	_ = 	snop  }
0x7: {  	_ = 	snop  }
__scs_overlays_trampoline_lowered:
0x8: {  	[smem:$0x3FAF] =	sst s0  }
0x9: {  	[smem:$0x3FB0] =	sst s1  }
0xa: {  	[smem:$0x3FB1] =	sst s2  }
0xb: {  	[smem:$0x3FB2] =	sst s3  }
0xc: {  	[smem:$0x3FB3] =	sst s4  }
0xd: {  	[smem:$0x3FB4] =	sst s5  }
0xe: {  	[smem:$0x3FB5] =	sst s6  }
0xf: {  	[smem:$0x3FB6] =	sst s7  }
0x10: {  	[smem:$0x3FB7] =	sst s8  }
0x11: {  	[smem:$0x3FB8] =	sst s9;
	s0 =	simm.s32 @!p0 $0x0  }
0x12: {  	s1 =	sld [smem:$0x3F9E];
	s0 =	simm.s32 @p0 $0x1  }
0x13: {  	[smem:$0x3FB9] =	sst s0;
	s0 =	simm.s32 @!p1 $0x0  }
0x14: {  	s2 =	sld [smem:$0x3F9D];
	s0 =	simm.s32 @p1 $0x1  }
0x15: {  	[smem:$0x3FBA] =	sst s0;
	s0 =	simm.s32 @!p2 $0x0  }
0x16: {  	s3 =	sld [smem:$0x3FDB];
	s0 =	simm.s32 @p2 $0x1  }
0x17: {  	s4 =	simm.s32 $0x1BF5;
	[smem:$0x3FBC] =	sst s0  }
0x18: {  	s0 =	sld [smem:$0x3F9F];
	_ =	swait.ge [sflag:s4], $0x0  }
0x19: {  	s7 =	sld [smem:$0x3FA0]  }
0x1a: {  	s8 =	sadd.s32 $0xFFFFE003, lr  }
0x1b: {  	s9 =	sadd.s32 $0xFFFFFEF7, lr;
	s5 =	simm.s32 $0xFFFFFFFF;
	p2 =	slt.u32 s8, $0xFFFFF086  }
0x1c: {  	p1 =	slt.u32 s9, $0xF7A;
	s5 =	simm.s32 @!p2 $0x0  }
0x1d: {  	s5 =	simm.s32 @p1 $0x1;
	p0 =	seq.s32 s7, s2  }
0x1e: {  	s7 =	smul.u32 @!p0 $0xF7A, s2;
	p2 =	seq.s32 @!p0 s5, $0x0  }
0x1f: {  	s9 =	smul.u32 $0xF7A, s1;
	s8 =	simm.s32 @!p0 $0x1BF5;
	p2 =	por !p2, p0  }
0x20: {  	[sflag:s8] =	ssyncset.s32 @!p0 $0xFFFFF086;
	s6 =	sadd.s32 @!p0 s3, s7;
	s7 =	simm.s32 @!p0 $0x108  }
0x21: {  	s3 =	sadd.s32 s3, s9;
	s6 =	sadd.s32 @!p0 $0x88, s6;
	s7 =	simm.s32 @p2 $0x1082  }
0x22: {  	[simem:s7], [sflag:s8] =	dma.local @!p0 [hbm:s6], $0xF7A  }
0x23: {  	s9 =	sor.u32 $0xD0000000, s2;
	s6 =	simm.s32 $0x108;
	_ =	swait.ge @!p0 [sflag:s8], $0x0  }
0x24: {  	s3 =	sadd.s32 $0x88, s3;
	s6 =	simm.s32 @!p1 $0x1082;
	[sflag:s4] =	ssyncset.s32 $0xFFFFF086  }
0x25: {  	[simem:s6], [sflag:s4] =	dma.local [hbm:s3], $0xF7A  }
0x26: {  	[smem:$0x3FA0] =	sst s1;
	(tag) =	ssettag s2;
	_ =	strace s9  }
0x27: {  	s1 =	sld [smem:$0x3FB0]  }
0x28: {  	s2 =	sld [smem:$0x3FB1]  }
0x29: {  	s4 =	sld [smem:$0x3FB3]  }
0x2a: {  	p0 =	seq.s32 s5, $0x0;
	s5 =	sld [smem:$0x3FB4]  }
0x2b: {  	s6 =	sld [smem:$0x3FB5]  }
0x2c: {  	s7 =	sld [smem:$0x3FB6]  }
0x2d: {  	s3 =	simm.s32 $0x108;
	s8 =	sld [smem:$0x3FB7]  }
0x2e: {  	s3 =	simm.s32 @!p0 $0x1082;
	s9 =	sld [smem:$0x3FB8]  }
0x2f: {  	lr =	sadd.s32 s0, s3;
	s0 =	sld [smem:$0x3FAF]  }
0x30: {  	s3 =	sld [smem:$0x3FB2]  }
0x31: {  	[smem:$0x3FBB] =	sst s10  }
0x32: {  	s10 =	sld [smem:$0x3FB9];
	_ =	sdelay $0x3  }
0x33: {  	p0 =	seq.s32 s10, $0x1;
	s10 =	sld [smem:$0x3FBB];
	_ =	sdelay $0x3  }
0x34: {  	[smem:$0x3FBB] =	sst s10  }
0x35: {  	s10 =	sld [smem:$0x3FBA];
	_ =	sdelay $0x3  }
0x36: {  	p1 =	seq.s32 s10, $0x1;
	s10 =	sld [smem:$0x3FBB];
	_ =	sdelay $0x3  }
0x37: {  	[smem:$0x3FBB] =	sst s10  }
0x38: {  	s10 =	sld [smem:$0x3FBC]  }
0x39: {  	_ = 	snop;
	(pc) =	sbr.ind lr, $3  }
0x3a: {  	_ = 	snop  }
0x3b: {  	_ = 	snop  }
0x3c: {  	p2 =	seq.s32 s10, $0x1;
	s10 =	sld [smem:$0x3FBB]  }
0x3d: {  	_ =	shalt  }
0x3e: {  	_ =	shalt  }
0x3f: {  	_ =	shalt  }
0x40: {  	_ =	shalt  }
0x41: {  	_ =	shalt  }
0x42: {  	_ =	shalt  }
0x43: {  	_ =	shalt  }
0x44: {  	_ =	shalt  }
0x45: {  	_ =	shalt  }
0x46: {  	_ =	shalt  }
0x47: {  	_ =	shalt  }
0x48: {  	_ =	shalt  }
0x49: {  	_ =	shalt  }
0x4a: {  	_ =	shalt  }
0x4b: {  	_ =	shalt  }
0x4c: {  	_ =	shalt  }
0x4d: {  	_ =	shalt  }
0x4e: {  	_ =	shalt  }
0x4f: {  	_ =	shalt  }
0x50: {  	_ =	shalt  }
0x51: {  	_ =	shalt  }
0x52: {  	_ =	shalt  }
0x53: {  	_ =	shalt  }
0x54: {  	_ =	shalt  }
0x55: {  	_ =	shalt  }
0x56: {  	_ =	shalt  }
0x57: {  	_ =	shalt  }
0x58: {  	_ =	shalt  }
0x59: {  	_ =	shalt  }
0x5a: {  	_ =	shalt  }
0x5b: {  	_ =	shalt  }
0x5c: {  	_ =	shalt  }
0x5d: {  	_ =	shalt  }
0x5e: {  	_ =	shalt  }
0x5f: {  	_ =	shalt  }
0x60: {  	_ =	shalt  }
0x61: {  	_ =	shalt  }
0x62: {  	_ =	shalt  }
0x63: {  	_ =	shalt  }
0x64: {  	_ =	shalt  }
0x65: {  	_ =	shalt  }
0x66: {  	_ =	shalt  }
0x67: {  	_ =	shalt  }
0x68: {  	_ =	shalt  }
0x69: {  	_ =	shalt  }
0x6a: {  	_ =	shalt  }
0x6b: {  	_ =	shalt  }
0x6c: {  	_ =	shalt  }
0x6d: {  	_ =	shalt  }
0x6e: {  	_ =	shalt  }
0x6f: {  	_ =	shalt  }
0x70: {  	_ =	shalt  }
0x71: {  	_ =	shalt  }
0x72: {  	_ =	shalt  }
0x73: {  	_ =	shalt  }
0x74: {  	_ =	shalt  }
0x75: {  	_ =	shalt  }
0x76: {  	_ =	shalt  }
0x77: {  	_ =	shalt  }
0x78: {  	_ =	shalt  }
0x79: {  	_ =	shalt  }
0x7a: {  	_ =	shalt  }
0x7b: {  	_ =	shalt  }
0x7c: {  	_ =	shalt  }
0x7d: {  	_ =	shalt  }
0x7e: {  	_ =	shalt  }
0x7f: {  	_ =	shalt  }
0x80: {  	_ =	shalt  }
0x81: {  	_ =	shalt  }
0x82: {  	_ =	shalt  }
0x83: {  	_ =	shalt  }
0x84: {  	_ =	shalt  }
0x85: {  	_ =	shalt  }
0x86: {  	_ =	shalt  }
0x87: {  	_ =	shalt  }
.Lfunc_end0:
.L_simem_size_0:
called_computation_lowered:
.L_overlay_start_0:
0x88: {  	s2 =	sld [smem:$0x3FD9]  }
0x89: {  	s3 =	sld [smem:$0x3FFE];
	_ =	sdelay $0x1  }
0x8a: {  	s1 =	srdreg.scid  }
0x8b: {  	s0 =	sand.u32 $0x1, s1  }
0x8c: {  	s18 =	sshll.u32 s0, $0xA;
	s2 =	sadd.s32 s3, s2  }
0x8d: {  	s2 =	sadd.s32 s2, s18  }
0x8e: {  	[smem:$0x3FC7] =	sst s2  }
0x8f: {  	_ = 	snop  }
0x90: {  	s2 =	sld [smem:$0x3FC9]  }
0x91: {  	s19 =	sld [smem:$0x3FD0];
	(tm) =	ssettm $0x1  }
0x92: {  	s4 =	sld [smem:$0x3FFB];
	_ =	sdelay $0x3  }
0x93: {  	_ =	strace s4  }
0x94: {  	s4 =	sld [smem:$0x3FFC];
	_ =	sdelay $0x3  }
0x95: {  	_ =	strace s4  }
0x96: {  	s4 =	sld [smem:$0x3FFD];
	_ =	sdelay $0x3  }
0x97: {  	_ =	strace s4  }
0x98: {  	_ =	strace $0x8FFFFFFF  }
0x99: {  	s20 =	sld [smem:$0x3FDB];
	_ =	sdelay $0x1  }
0x9a: {  	s5 =	simm.s32 $_scs_section_size  }
0x9b: {  	s6 =	simm.s32 $_size__tile_overlayer_lowered;
	s7 =	simm.s32 $_tile_overlayer_lowered  }
0x9c: {  	s23 =	simm.s32 $0x1BFF;
	s22 =	sshll.u32 s7, $0x1;
	s4 =	sadd.s32 s5, s20  }
0x9d: {  	s8 =	simm.s32 $0x0;
	s21 =	sshll.u32 s6, $0x1;
	s6 =	sadd.s32 s22, s4  }
0x9e: {  	[timem:s8], [sflag:s23] =	dma.local [hbm:s6], s21  }
0x9f: {  	_ =	swait.ge [sflag:s23], s21  }
0xa0: {  	s5 =	ssub.s32 $0x0, s21;
	[sflag:s23] =	ssyncset.done $0x0  }
0xa1: {  	[sflag:s23] =	ssyncadd.s32 s5;
	_ =	sdelay $0x1  }
0xa2: {  	s24 =	simm.s32 $0x1B8B  }
0xa3: {  	_ =	swait.ge [sflag:s24], $0x1  }
0xa4: {  	[sflag:s24] =	ssyncset.done $0x0  }
0xa5: {  	s25 =	simm.s32 $0x1B8E;
	[sflag:s24] =	ssyncadd.s32 $0xFFFFFFFF  }
0xa6: {  	s26 =	simm.s32 $execute0_lowered;
	[smem:$0x3FD2] =	sst s25  }
0xa7: {  	s5 =	sshll.u32 s26, $0x1;
	_ =	strace $0x80000046;
	[dreg:$0x1] =	wrdreg $0xFFFFFFFF  }
0xa8: {  	s28 =	simm.s32 $_size_execute0_lowered;
	s4 =	sadd.s32 s4, s5;
	[dreg:$0x0] =	wrdreg $0x0  }
0xa9: {  	s5 =	sshll.u32 s28, $0x1;
	[dreg:$0x2] =	wrdreg s4  }
0xaa: {  	[dreg:$0x3] =	wrdreg s5  }
0xab: {  	[dreg:$0x4] =	wrdreg $0xC0  }
0xac: {  	_ =	task [dreg:s8], $0x5FFFF  }
0xad: {  	[dreg:$0x1] =	wrdreg $0xFFFFFFFF  }
0xae: {  	[dreg:$0x0] =	wrdreg $0x60  }
0xaf: {  	[dreg:$0x2] =	wrdreg s2  }
0xb0: {  	[dreg:$0x3] =	wrdreg s19  }
0xb1: {  	[dreg:$0x4] =	wrdreg $0x9  }
0xb2: {  	_ =	task.clear_ibuf [dreg:s8], $0x5FFFF;
	_ =	strace $0x90000046  }
0xb3: {  	s29 =	simm.s32 $0x9;
	_ =	strace $0x80000048  }
0xb4: {  	_ =	swait.ge [sflag:s29], $0x1  }
0xb5: {  	[sflag:s29] =	ssyncadd.s32 $0xFFFFFFFF  }
0xb6: {  	_ =	strace $0x90000048  }
0xb7: {  	_ =	sfence  }
0xb8: {  	s30 =	sld [smem:$0x0];
	_ =	sdelay $0x2  }
0xb9: {  	s31 =	sshll.u32 s1, $0xD;
	s1 =	sshrl.u32 s1, $0x2  }
0xba: {  	s3 =	sand.u32 $0x4000, s31;
	s1 =	sadd.s32 s1, s30  }
0xbb: {  	s0 =	sor.u32 s3, s0;
	s1 =	sshll.u32 s1, $0x11  }
0xbc: {  	s0 =	sor.u32 s1, s0  }
0xbd: {  	s0 =	sadd.s32 $0x8F2B, s0  }
0xbe: {  	[sflag:s0] =	ssyncadd.remote.s32 $0x1  }
0xbf: {  	_ =	sfence.sel $0xFFFF  }
0xc0: {  	[dreg:$0x0] =	wrdreg $0xFFFFFFFF;
	(pc) =	sbr.abs _section_cstart, $3  }
0xc1: {  	[dreg:$0x1] =	wrdreg $0xFFFFFFFF  }
0xc2: {  	_ =	task.clear_ibuf [dreg:s8], $0x2FFFF;
	_ =	strace $0x9FFFFFFF  }
0xc3: {  	(tm) =	ssettm $0x7FFFFFFF  }
tec
execute0_lowered:
.L_overlay_start_1:
0x0: {  	(tag) =	ssettag $0x1  }
0x1: {  	s0 =	rddreg [dreg:$0x0]  }
0x2: {  	s3 =	rddreg [dreg:$0x1];
	s4 =	srdreg.scid;
	s2 =	simm.s32 $0x0  }
0x3: {  	s1 =	stileid.u32;
	s29 =	simm.s32 $0x8000;
	p0 =	por $0x0, $0x0  }
0x4: {  	s30 =	simm.s32 $0x2;
	s4 =	sand.u32 $0x1, s4;
	s6 =	sshll.u32 s1, $0xF  }
0x5: {  	[smem:$0x7FF] =	sst s2;
	s5 =	ssub.s32 $0x2, s4;
	s4 =	sshll.u32 s4, $0xE  }
0x6: {  	_ =	strace $0x80000047;
	s7 =	sshrl.u32 s5, $0x1;
	s4 =	sor.u32 s4, s6  }
0x7: {  	s5 =	ssub.s32 s5, s7;
	s6 =	sadd.s32 s0, s4;
	s15 =	sor.u32 $0x1000, s4  }
0x8: {  	s16 =	sor.u32 $0x2000, s4;
	s21 =	sadd.s32 s3, s4;
	s4 =	sor.u32 $0x3000, s4  }
0x9: {  	[dreg:$0x3] =	wrdreg s6;
	s26 =	sadd.s32 s0, s15;
	s28 =	sadd.s32 s0, s16  }
0xa: {  	s22 =	sadd.s32 $0x80000, s21;
	s23 =	sadd.s32 $0x100000, s21;
	s24 =	sadd.s32 $0x180000, s21  }
0xb: {  	s17 =	sadd.s32 s3, s15;
	s18 =	sadd.s32 $0x81000, s21;
	s19 =	sadd.s32 $0x101000, s21  }
0xc: {  	s20 =	sadd.s32 $0x181000, s21;
	s14 =	sadd.s32 s0, s4;
	s25 =	smax.u32 s5, $0x1  }
0xd: {  	s10 =	sadd.s32 s3, s16;
	s11 =	sadd.s32 $0x82000, s21;
	p1 =	sne.s32 s25, $0x1  }
.Ltmp0:
0xe: {  	s12 =	sadd.s32 $0x102000, s21;
	s13 =	sadd.s32 $0x182000, s21;
	(pc) =	sbr.rel @!p1 .LBB2_3-.Ltmp0, $4  }
0xf: {  	s6 =	sadd.s32 s3, s4;
	s7 =	sadd.s32 $0x83000, s21;
	s8 =	sadd.s32 $0x103000, s21  }
0x10: {  	s9 =	sadd.s32 $0x183000, s21;
	s16 =	simm.s32 $0x10000;
	s15 =	simm.s32 $0x1  }
0x11: {  	s3 =	simm.s32 $0x4;
	s5 =	simm.s32 $0x5;
	s4 =	simm.s32 $0x6  }
0x12: {  	s31 =	sadd.s32 $0xFFFFFFFF, s25;
	s25 =	simm.s32 $0x3;
	s0 =	rddreg [dreg:$0x3]  }
0x13: {  	[tilespmem:s2], [sflag:$0x1] =	stream.linear.gather [hbm4b:s0+s2], $0x8000, $0x38;
	[tilespmem:$0x18000] =	vst v63  }
0x14: {  	_ = 	snop  }
0x15: {  	[tilespmem:s29], [sflag:$0x2] =	stream.linear.gather [hbm4b:s26+s2], $0x8000, $0x38;
	[tilespmem:$0x18000] =	vst v63  }
0x16: {  	_ = 	snop  }
0x17: {  	[tilespmem:s16], [sflag:$0x3] =	stream.linear.gather [hbm4b:s28+s2], $0x8000, $0x38;
	[tilespmem:$0x18000] =	vst v63  }
0x18: {  	_ =	swait.ge [sflag:s15], $0x8000  }
0x19: {  	[sflag:s15] =	ssyncset.done $0x0  }
0x1a: {  	[sflag:s15] =	ssyncadd.s32 $0xFFFF8000  }
0x1b: {  	[hbm4b:s21+s2] =	stream.linear.scatter [tilespmem:s2], [sflag:$0x4], $0x8000, $0x38;
	[tilespmem:$0x18000] =	vst v63  }
0x1c: {  	_ = 	snop  }
0x1d: {  	[hbm4b:s22+s2] =	stream.linear.scatter [tilespmem:s2], [sflag:$0x4], $0x8000, $0x38;
	[tilespmem:$0x18000] =	vst v63  }
0x1e: {  	_ = 	snop  }
0x1f: {  	[hbm4b:s23+s2] =	stream.linear.scatter [tilespmem:s2], [sflag:$0x4], $0x8000, $0x38;
	[tilespmem:$0x18000] =	vst v63  }
0x20: {  	_ = 	snop  }
0x21: {  	[hbm4b:s24+s2] =	stream.linear.scatter [tilespmem:s2], [sflag:$0x4], $0x8000, $0x38;
	[tilespmem:$0x18000] =	vst v63  }
0x22: {  	_ =	swait.ge [sflag:s30], $0x8000  }
0x23: {  	[sflag:s30] =	ssyncset.done $0x0  }
0x24: {  	[sflag:s30] =	ssyncadd.s32 $0xFFFF8000  }
0x25: {  	[hbm4b:s17+s2] =	stream.linear.scatter [tilespmem:s29], [sflag:$0x5], $0x8000, $0x38;
	[tilespmem:$0x18000] =	vst v63  }
0x26: {  	_ = 	snop  }
0x27: {  	[hbm4b:s18+s2] =	stream.linear.scatter [tilespmem:s29], [sflag:$0x5], $0x8000, $0x38;
	[tilespmem:$0x18000] =	vst v63  }
0x28: {  	_ = 	snop  }
0x29: {  	[hbm4b:s19+s2] =	stream.linear.scatter [tilespmem:s29], [sflag:$0x5], $0x8000, $0x38;
	[tilespmem:$0x18000] =	vst v63  }
0x2a: {  	_ = 	snop  }
0x2b: {  	[hbm4b:s20+s2] =	stream.linear.scatter [tilespmem:s29], [sflag:$0x5], $0x8000, $0x38;
	[tilespmem:$0x18000] =	vst v63  }
0x2c: {  	_ =	swait.ge [sflag:s3], $0x8000  }
0x2d: {  	[sflag:s3] =	ssyncset.done $0x0  }
0x2e: {  	[sflag:s3] =	ssyncadd.s32 $0xFFFF8000  }
0x2f: {  	_ =	swait.ge [sflag:s3], $0x8000  }
0x30: {  	[sflag:s3] =	ssyncset.done $0x0  }
0x31: {  	[sflag:s3] =	ssyncadd.s32 $0xFFFF8000  }
0x32: {  	_ =	swait.ge [sflag:s3], $0x8000  }
0x33: {  	[sflag:s3] =	ssyncset.done $0x0  }
0x34: {  	[sflag:s3] =	ssyncadd.s32 $0xFFFF8000  }
0x35: {  	_ =	swait.ge [sflag:s3], $0x8000  }
0x36: {  	[sflag:s3] =	ssyncset.done $0x0  }
0x37: {  	[sflag:s3] =	ssyncadd.s32 $0xFFFF8000  }
0x38: {  	[tilespmem:s2], [sflag:$0x1] =	stream.linear.gather [hbm4b:s14+s2], $0x8000, $0x38;
	[tilespmem:$0x18000] =	vst v63  }
0x39: {  	_ =	swait.ge [sflag:s25], $0x8000  }
0x3a: {  	[sflag:s25] =	ssyncset.done $0x0  }
0x3b: {  	[sflag:s25] =	ssyncadd.s32 $0xFFFF8000  }
0x3c: {  	[hbm4b:s10+s2] =	stream.linear.scatter [tilespmem:s16], [sflag:$0x6], $0x8000, $0x38;
	[tilespmem:$0x18000] =	vst v63  }
0x3d: {  	_ = 	snop  }
0x3e: {  	[hbm4b:s11+s2] =	stream.linear.scatter [tilespmem:s16], [sflag:$0x6], $0x8000, $0x38;
	[tilespmem:$0x18000] =	vst v63  }
0x3f: {  	_ = 	snop  }
0x40: {  	[hbm4b:s12+s2] =	stream.linear.scatter [tilespmem:s16], [sflag:$0x6], $0x8000, $0x38;
	[tilespmem:$0x18000] =	vst v63  }
0x41: {  	_ = 	snop  }
0x42: {  	[hbm4b:s13+s2] =	stream.linear.scatter [tilespmem:s16], [sflag:$0x6], $0x8000, $0x38;
	[tilespmem:$0x18000] =	vst v63  }
0x43: {  	_ =	swait.ge [sflag:s15], $0x8000  }
0x44: {  	[sflag:s15] =	ssyncset.done $0x0  }
0x45: {  	[sflag:s15] =	ssyncadd.s32 $0xFFFF8000  }
0x46: {  	[hbm4b:s6+s2] =	stream.linear.scatter [tilespmem:s2], [sflag:$0x4], $0x8000, $0x38;
	[tilespmem:$0x18000] =	vst v63  }
0x47: {  	_ = 	snop  }
0x48: {  	[hbm4b:s7+s2] =	stream.linear.scatter [tilespmem:s2], [sflag:$0x4], $0x8000, $0x38;
	[tilespmem:$0x18000] =	vst v63  }
0x49: {  	_ = 	snop  }
0x4a: {  	[hbm4b:s8+s2] =	stream.linear.scatter [tilespmem:s2], [sflag:$0x4], $0x8000, $0x38;
	[tilespmem:$0x18000] =	vst v63  }
0x4b: {  	_ = 	snop  }
0x4c: {  	[hbm4b:s9+s2] =	stream.linear.scatter [tilespmem:s2], [sflag:$0x4], $0x8000, $0x38;
	[tilespmem:$0x18000] =	vst v63  }
0x4d: {  	_ =	swait.ge [sflag:s5], $0x8000  }
0x4e: {  	[sflag:s5] =	ssyncset.done $0x0  }
0x4f: {  	[sflag:s5] =	ssyncadd.s32 $0xFFFF8000  }
0x50: {  	_ =	swait.ge [sflag:s5], $0x8000  }
0x51: {  	[sflag:s5] =	ssyncset.done $0x0  }
0x52: {  	[sflag:s5] =	ssyncadd.s32 $0xFFFF8000  }
0x53: {  	_ =	swait.ge [sflag:s5], $0x8000  }
0x54: {  	[sflag:s5] =	ssyncset.done $0x0  }
0x55: {  	[sflag:s5] =	ssyncadd.s32 $0xFFFF8000  }
0x56: {  	_ =	swait.ge [sflag:s5], $0x8000  }
0x57: {  	[sflag:s5] =	ssyncset.done $0x0  }
0x58: {  	[sflag:s5] =	ssyncadd.s32 $0xFFFF8000  }
0x59: {  	_ =	swait.ge [sflag:s4], $0x8000  }
0x5a: {  	[sflag:s4] =	ssyncset.done $0x0  }
0x5b: {  	[sflag:s4] =	ssyncadd.s32 $0xFFFF8000  }
0x5c: {  	_ =	swait.ge [sflag:s4], $0x8000  }
0x5d: {  	[sflag:s4] =	ssyncset.done $0x0  }
0x5e: {  	[sflag:s4] =	ssyncadd.s32 $0xFFFF8000  }
0x5f: {  	_ =	swait.ge [sflag:s4], $0x8000  }
0x60: {  	[sflag:s4] =	ssyncset.done $0x0  }
0x61: {  	[sflag:s4] =	ssyncadd.s32 $0xFFFF8000  }
0x62: {  	_ =	swait.ge [sflag:s4], $0x8000  }
0x63: {  	[sflag:s4] =	ssyncset.done $0x0  }
0x64: {  	[sflag:s4] =	ssyncadd.s32 $0xFFFF8000  }
0x65: {  	_ =	swait.ge [sflag:s3], $0x8000  }
0x66: {  	[sflag:s3] =	ssyncset.done $0x0  }
0x67: {  	[sflag:s3] =	ssyncadd.s32 $0xFFFF8000  }
0x68: {  	_ =	swait.ge [sflag:s3], $0x8000  }
0x69: {  	[sflag:s3] =	ssyncset.done $0x0  }
0x6a: {  	p1 =	sne.s32 s31, $0x1;
	[sflag:s3] =	ssyncadd.s32 $0xFFFF8000  }
.Ltmp1:
0x6b: {  	_ =	swait.ge [sflag:s3], $0x8000;
	(pc) =	sbr.rel @!p1 .LBB2_3-.Ltmp1, $4  }
0x6c: {  	[sflag:s3] =	ssyncset.done $0x0  }
0x6d: {  	[sflag:s3] =	ssyncadd.s32 $0xFFFF8000  }
0x6e: {  	s31 =	sadd.s32 $0xFFFFFFFF, s31;
	_ =	swait.ge [sflag:s3], $0x8000  }
0x6f: {  	p0 =	por $0x1, $0x1;
	s0 =	rddreg [dreg:$0x3];
	[sflag:s3] =	ssyncset.done $0x0  }
.LBB2_2:
0x70: {  	[sflag:s3] =	ssyncadd.s32 $0xFFFF8000  }
0x71: {  	[tilespmem:s2], [sflag:$0x1] =	stream.linear.gather [hbm4b:s0+s2], $0x8000, $0x38;
	[tilespmem:$0x18000] =	vst v63  }
0x72: {  	_ = 	snop  }
0x73: {  	[tilespmem:s29], [sflag:$0x2] =	stream.linear.gather [hbm4b:s26+s2], $0x8000, $0x38;
	[tilespmem:$0x18000] =	vst v63  }
0x74: {  	_ = 	snop  }
0x75: {  	[tilespmem:s16], [sflag:$0x3] =	stream.linear.gather [hbm4b:s28+s2], $0x8000, $0x38;
	[tilespmem:$0x18000] =	vst v63  }
0x76: {  	_ =	swait.ge [sflag:s15], $0x8000  }
0x77: {  	[sflag:s15] =	ssyncset.done $0x0  }
0x78: {  	[sflag:s15] =	ssyncadd.s32 $0xFFFF8000  }
0x79: {  	[hbm4b:s21+s2] =	stream.linear.scatter [tilespmem:s2], [sflag:$0x4], $0x8000, $0x38;
	[tilespmem:$0x18000] =	vst v63  }
0x7a: {  	_ = 	snop  }
0x7b: {  	[hbm4b:s22+s2] =	stream.linear.scatter [tilespmem:s2], [sflag:$0x4], $0x8000, $0x38;
	[tilespmem:$0x18000] =	vst v63  }
0x7c: {  	_ = 	snop  }
0x7d: {  	[hbm4b:s23+s2] =	stream.linear.scatter [tilespmem:s2], [sflag:$0x4], $0x8000, $0x38;
	[tilespmem:$0x18000] =	vst v63  }
0x7e: {  	_ = 	snop  }
0x7f: {  	[hbm4b:s24+s2] =	stream.linear.scatter [tilespmem:s2], [sflag:$0x4], $0x8000, $0x38;
	[tilespmem:$0x18000] =	vst v63  }
0x80: {  	_ =	swait.ge [sflag:s30], $0x8000  }
0x81: {  	[sflag:s30] =	ssyncset.done $0x0  }
0x82: {  	[sflag:s30] =	ssyncadd.s32 $0xFFFF8000  }
0x83: {  	[hbm4b:s17+s2] =	stream.linear.scatter [tilespmem:s29], [sflag:$0x5], $0x8000, $0x38;
	[tilespmem:$0x18000] =	vst v63  }
0x84: {  	_ = 	snop  }
0x85: {  	[hbm4b:s18+s2] =	stream.linear.scatter [tilespmem:s29], [sflag:$0x5], $0x8000, $0x38;
	[tilespmem:$0x18000] =	vst v63  }
0x86: {  	_ = 	snop  }
0x87: {  	[hbm4b:s19+s2] =	stream.linear.scatter [tilespmem:s29], [sflag:$0x5], $0x8000, $0x38;
	[tilespmem:$0x18000] =	vst v63  }
0x88: {  	_ = 	snop  }
0x89: {  	[hbm4b:s20+s2] =	stream.linear.scatter [tilespmem:s29], [sflag:$0x5], $0x8000, $0x38;
	[tilespmem:$0x18000] =	vst v63  }
0x8a: {  	_ =	swait.ge [sflag:s3], $0x8000  }
0x8b: {  	[sflag:s3] =	ssyncset.done $0x0  }
0x8c: {  	[sflag:s3] =	ssyncadd.s32 $0xFFFF8000  }
0x8d: {  	_ =	swait.ge [sflag:s3], $0x8000  }
0x8e: {  	[sflag:s3] =	ssyncset.done $0x0  }
0x8f: {  	[sflag:s3] =	ssyncadd.s32 $0xFFFF8000  }
0x90: {  	_ =	swait.ge [sflag:s3], $0x8000  }
0x91: {  	[sflag:s3] =	ssyncset.done $0x0  }
0x92: {  	[sflag:s3] =	ssyncadd.s32 $0xFFFF8000  }
0x93: {  	_ =	swait.ge [sflag:s3], $0x8000  }
0x94: {  	[sflag:s3] =	ssyncset.done $0x0  }
0x95: {  	[sflag:s3] =	ssyncadd.s32 $0xFFFF8000  }
0x96: {  	[tilespmem:s2], [sflag:$0x1] =	stream.linear.gather [hbm4b:s14+s2], $0x8000, $0x38;
	[tilespmem:$0x18000] =	vst v63  }
0x97: {  	_ =	swait.ge [sflag:s25], $0x8000  }
0x98: {  	[sflag:s25] =	ssyncset.done $0x0  }
0x99: {  	[sflag:s25] =	ssyncadd.s32 $0xFFFF8000  }
0x9a: {  	[hbm4b:s10+s2] =	stream.linear.scatter [tilespmem:s16], [sflag:$0x6], $0x8000, $0x38;
	[tilespmem:$0x18000] =	vst v63  }
0x9b: {  	_ = 	snop  }
0x9c: {  	[hbm4b:s11+s2] =	stream.linear.scatter [tilespmem:s16], [sflag:$0x6], $0x8000, $0x38;
	[tilespmem:$0x18000] =	vst v63  }
0x9d: {  	_ = 	snop  }
0x9e: {  	[hbm4b:s12+s2] =	stream.linear.scatter [tilespmem:s16], [sflag:$0x6], $0x8000, $0x38;
	[tilespmem:$0x18000] =	vst v63  }
0x9f: {  	_ = 	snop  }
0xa0: {  	[hbm4b:s13+s2] =	stream.linear.scatter [tilespmem:s16], [sflag:$0x6], $0x8000, $0x38;
	[tilespmem:$0x18000] =	vst v63  }
0xa1: {  	_ =	swait.ge [sflag:s15], $0x8000  }
0xa2: {  	[sflag:s15] =	ssyncset.done $0x0  }
0xa3: {  	[sflag:s15] =	ssyncadd.s32 $0xFFFF8000  }
0xa4: {  	[hbm4b:s6+s2] =	stream.linear.scatter [tilespmem:s2], [sflag:$0x4], $0x8000, $0x38;
	[tilespmem:$0x18000] =	vst v63  }
0xa5: {  	_ = 	snop  }
0xa6: {  	[hbm4b:s7+s2] =	stream.linear.scatter [tilespmem:s2], [sflag:$0x4], $0x8000, $0x38;
	[tilespmem:$0x18000] =	vst v63  }
0xa7: {  	_ = 	snop  }
0xa8: {  	[hbm4b:s8+s2] =	stream.linear.scatter [tilespmem:s2], [sflag:$0x4], $0x8000, $0x38;
	[tilespmem:$0x18000] =	vst v63  }
0xa9: {  	_ = 	snop  }
0xaa: {  	[hbm4b:s9+s2] =	stream.linear.scatter [tilespmem:s2], [sflag:$0x4], $0x8000, $0x38;
	[tilespmem:$0x18000] =	vst v63  }
0xab: {  	_ =	swait.ge [sflag:s5], $0x8000  }
0xac: {  	[sflag:s5] =	ssyncset.done $0x0  }
0xad: {  	[sflag:s5] =	ssyncadd.s32 $0xFFFF8000  }
0xae: {  	_ =	swait.ge [sflag:s5], $0x8000  }
0xaf: {  	[sflag:s5] =	ssyncset.done $0x0  }
0xb0: {  	[sflag:s5] =	ssyncadd.s32 $0xFFFF8000  }
0xb1: {  	_ =	swait.ge [sflag:s5], $0x8000  }
0xb2: {  	[sflag:s5] =	ssyncset.done $0x0  }
0xb3: {  	[sflag:s5] =	ssyncadd.s32 $0xFFFF8000  }
0xb4: {  	_ =	swait.ge [sflag:s5], $0x8000  }
0xb5: {  	[sflag:s5] =	ssyncset.done $0x0  }
0xb6: {  	[sflag:s5] =	ssyncadd.s32 $0xFFFF8000  }
0xb7: {  	_ =	swait.ge [sflag:s4], $0x8000  }
0xb8: {  	[sflag:s4] =	ssyncset.done $0x0  }
0xb9: {  	[sflag:s4] =	ssyncadd.s32 $0xFFFF8000  }
0xba: {  	_ =	swait.ge [sflag:s4], $0x8000  }
0xbb: {  	[sflag:s4] =	ssyncset.done $0x0  }
0xbc: {  	[sflag:s4] =	ssyncadd.s32 $0xFFFF8000  }
0xbd: {  	_ =	swait.ge [sflag:s4], $0x8000  }
0xbe: {  	[sflag:s4] =	ssyncset.done $0x0  }
0xbf: {  	[sflag:s4] =	ssyncadd.s32 $0xFFFF8000  }
0xc0: {  	_ =	swait.ge [sflag:s4], $0x8000  }
0xc1: {  	[sflag:s4] =	ssyncset.done $0x0  }
0xc2: {  	[sflag:s4] =	ssyncadd.s32 $0xFFFF8000  }
0xc3: {  	_ =	swait.ge [sflag:s3], $0x8000  }
0xc4: {  	[sflag:s3] =	ssyncset.done $0x0  }
0xc5: {  	[sflag:s3] =	ssyncadd.s32 $0xFFFF8000  }
0xc6: {  	_ =	swait.ge [sflag:s3], $0x8000  }
0xc7: {  	[sflag:s3] =	ssyncset.done $0x0  }
0xc8: {  	p1 =	sne.s32 s31, $0x1;
	[sflag:s3] =	ssyncadd.s32 $0xFFFF8000  }
.Ltmp2:
0xc9: {  	_ =	swait.ge [sflag:s3], $0x8000;
	(pc) =	sbr.rel @p1 .LBB2_2-.Ltmp2, $4  }
0xca: {  	[sflag:s3] =	ssyncset.done $0x0  }
0xcb: {  	[sflag:s3] =	ssyncadd.s32 $0xFFFF8000  }
0xcc: {  	_ =	swait.ge [sflag:s3], $0x8000  }
0xcd: {  	s31 =	sadd.s32 $0xFFFFFFFF, s31;
	s0 =	rddreg [dreg:$0x3];
	[sflag:s3] =	ssyncset.done $0x0  }
.LBB2_3:
0xce: {  	[sflag:s3] =	ssyncadd.s32 @p0 $0xFFFF8000  }
0xcf: {  	[tilespmem:s2], [sflag:$0x1] =	stream.linear.gather [hbm4b:s0+s2], $0x8000, $0x38;
	[tilespmem:$0x18000] =	vst v63  }
0xd0: {  	_ = 	snop  }
0xd1: {  	[tilespmem:s29], [sflag:$0x2] =	stream.linear.gather [hbm4b:s26+s2], $0x8000, $0x38;
	[tilespmem:$0x18000] =	vst v63  }
0xd2: {  	_ = 	snop  }
0xd3: {  	[tilespmem:s16], [sflag:$0x3] =	stream.linear.gather [hbm4b:s28+s2], $0x8000, $0x38;
	[tilespmem:$0x18000] =	vst v63  }
0xd4: {  	_ =	swait.ge [sflag:s15], $0x8000  }
0xd5: {  	[sflag:s15] =	ssyncset.done $0x0  }
0xd6: {  	[sflag:s15] =	ssyncadd.s32 $0xFFFF8000  }
0xd7: {  	[hbm4b:s21+s2] =	stream.linear.scatter [tilespmem:s2], [sflag:$0x4], $0x8000, $0x38;
	[tilespmem:$0x18000] =	vst v63  }
0xd8: {  	_ = 	snop  }
0xd9: {  	[hbm4b:s22+s2] =	stream.linear.scatter [tilespmem:s2], [sflag:$0x4], $0x8000, $0x38;
	[tilespmem:$0x18000] =	vst v63  }
0xda: {  	_ = 	snop  }
0xdb: {  	[hbm4b:s23+s2] =	stream.linear.scatter [tilespmem:s2], [sflag:$0x4], $0x8000, $0x38;
	[tilespmem:$0x18000] =	vst v63  }
0xdc: {  	_ = 	snop  }
0xdd: {  	[hbm4b:s24+s2] =	stream.linear.scatter [tilespmem:s2], [sflag:$0x4], $0x8000, $0x38;
	[tilespmem:$0x18000] =	vst v63  }
0xde: {  	_ =	swait.ge [sflag:s30], $0x8000  }
0xdf: {  	[sflag:s30] =	ssyncset.done $0x0  }
0xe0: {  	[sflag:s30] =	ssyncadd.s32 $0xFFFF8000  }
0xe1: {  	[hbm4b:s17+s2] =	stream.linear.scatter [tilespmem:s29], [sflag:$0x5], $0x8000, $0x38;
	[tilespmem:$0x18000] =	vst v63  }
0xe2: {  	_ = 	snop  }
0xe3: {  	[hbm4b:s18+s2] =	stream.linear.scatter [tilespmem:s29], [sflag:$0x5], $0x8000, $0x38;
	[tilespmem:$0x18000] =	vst v63  }
0xe4: {  	_ = 	snop  }
0xe5: {  	[hbm4b:s19+s2] =	stream.linear.scatter [tilespmem:s29], [sflag:$0x5], $0x8000, $0x38;
	[tilespmem:$0x18000] =	vst v63  }
0xe6: {  	_ = 	snop  }
0xe7: {  	[hbm4b:s20+s2] =	stream.linear.scatter [tilespmem:s29], [sflag:$0x5], $0x8000, $0x38;
	[tilespmem:$0x18000] =	vst v63  }
0xe8: {  	_ =	swait.ge [sflag:s3], $0x8000  }
0xe9: {  	[sflag:s3] =	ssyncset.done $0x0  }
0xea: {  	[sflag:s3] =	ssyncadd.s32 $0xFFFF8000  }
0xeb: {  	_ =	swait.ge [sflag:s3], $0x8000  }
0xec: {  	[sflag:s3] =	ssyncset.done $0x0  }
0xed: {  	[sflag:s3] =	ssyncadd.s32 $0xFFFF8000  }
0xee: {  	_ =	swait.ge [sflag:s3], $0x8000  }
0xef: {  	[sflag:s3] =	ssyncset.done $0x0  }
0xf0: {  	[sflag:s3] =	ssyncadd.s32 $0xFFFF8000  }
0xf1: {  	_ =	swait.ge [sflag:s3], $0x8000  }
0xf2: {  	[sflag:s3] =	ssyncset.done $0x0  }
0xf3: {  	[sflag:s3] =	ssyncadd.s32 $0xFFFF8000  }
0xf4: {  	[tilespmem:s2], [sflag:$0x1] =	stream.linear.gather [hbm4b:s14+s2], $0x8000, $0x38;
	[tilespmem:$0x18000] =	vst v63  }
0xf5: {  	_ =	swait.ge [sflag:s25], $0x8000  }
0xf6: {  	[sflag:s25] =	ssyncset.done $0x0  }
0xf7: {  	[sflag:s25] =	ssyncadd.s32 $0xFFFF8000  }
0xf8: {  	[hbm4b:s10+s2] =	stream.linear.scatter [tilespmem:s16], [sflag:$0x6], $0x8000, $0x38;
	[tilespmem:$0x18000] =	vst v63  }
0xf9: {  	_ = 	snop  }
0xfa: {  	[hbm4b:s11+s2] =	stream.linear.scatter [tilespmem:s16], [sflag:$0x6], $0x8000, $0x38;
	[tilespmem:$0x18000] =	vst v63  }
0xfb: {  	_ = 	snop  }
0xfc: {  	[hbm4b:s12+s2] =	stream.linear.scatter [tilespmem:s16], [sflag:$0x6], $0x8000, $0x38;
	[tilespmem:$0x18000] =	vst v63  }
0xfd: {  	_ = 	snop  }
0xfe: {  	[hbm4b:s13+s2] =	stream.linear.scatter [tilespmem:s16], [sflag:$0x6], $0x8000, $0x38;
	[tilespmem:$0x18000] =	vst v63  }
0xff: {  	_ =	swait.ge [sflag:s15], $0x8000  }
0x100: {  	[sflag:s15] =	ssyncset.done $0x0  }
0x101: {  	[sflag:s15] =	ssyncadd.s32 $0xFFFF8000  }
0x102: {  	[hbm4b:s6+s2] =	stream.linear.scatter [tilespmem:s2], [sflag:$0x4], $0x8000, $0x38;
	[tilespmem:$0x18000] =	vst v63  }
0x103: {  	_ = 	snop  }
0x104: {  	[hbm4b:s7+s2] =	stream.linear.scatter [tilespmem:s2], [sflag:$0x4], $0x8000, $0x38;
	[tilespmem:$0x18000] =	vst v63  }
0x105: {  	_ = 	snop  }
0x106: {  	[hbm4b:s8+s2] =	stream.linear.scatter [tilespmem:s2], [sflag:$0x4], $0x8000, $0x38;
	[tilespmem:$0x18000] =	vst v63  }
0x107: {  	_ = 	snop  }
0x108: {  	[hbm4b:s9+s2] =	stream.linear.scatter [tilespmem:s2], [sflag:$0x4], $0x8000, $0x38;
	[tilespmem:$0x18000] =	vst v63  }
0x109: {  	_ =	swait.ge [sflag:s5], $0x8000  }
0x10a: {  	[sflag:s5] =	ssyncset.done $0x0  }
0x10b: {  	[sflag:s5] =	ssyncadd.s32 $0xFFFF8000  }
0x10c: {  	_ =	swait.ge [sflag:s5], $0x8000  }
0x10d: {  	[sflag:s5] =	ssyncset.done $0x0  }
0x10e: {  	[sflag:s5] =	ssyncadd.s32 $0xFFFF8000  }
0x10f: {  	_ =	swait.ge [sflag:s5], $0x8000  }
0x110: {  	[sflag:s5] =	ssyncset.done $0x0  }
0x111: {  	[sflag:s5] =	ssyncadd.s32 $0xFFFF8000  }
0x112: {  	_ =	swait.ge [sflag:s5], $0x8000  }
0x113: {  	[sflag:s5] =	ssyncset.done $0x0  }
0x114: {  	[sflag:s5] =	ssyncadd.s32 $0xFFFF8000  }
0x115: {  	_ =	swait.ge [sflag:s4], $0x8000  }
0x116: {  	[sflag:s4] =	ssyncset.done $0x0  }
0x117: {  	[sflag:s4] =	ssyncadd.s32 $0xFFFF8000  }
0x118: {  	_ =	swait.ge [sflag:s4], $0x8000  }
0x119: {  	[sflag:s4] =	ssyncset.done $0x0  }
0x11a: {  	[sflag:s4] =	ssyncadd.s32 $0xFFFF8000  }
0x11b: {  	_ =	swait.ge [sflag:s4], $0x8000  }
0x11c: {  	[sflag:s4] =	ssyncset.done $0x0  }
0x11d: {  	[sflag:s4] =	ssyncadd.s32 $0xFFFF8000  }
0x11e: {  	_ =	swait.ge [sflag:s4], $0x8000  }
0x11f: {  	[sflag:s4] =	ssyncset.done $0x0  }
0x120: {  	[sflag:s4] =	ssyncadd.s32 $0xFFFF8000  }
0x121: {  	_ =	swait.ge [sflag:s3], $0x8000  }
0x122: {  	[sflag:s3] =	ssyncset.done $0x0  }
0x123: {  	[sflag:s3] =	ssyncadd.s32 $0xFFFF8000  }
0x124: {  	_ =	swait.ge [sflag:s3], $0x8000  }
0x125: {  	[sflag:s3] =	ssyncset.done $0x0  }
0x126: {  	[sflag:s3] =	ssyncadd.s32 $0xFFFF8000  }
0x127: {  	_ =	swait.ge [sflag:s3], $0x8000  }
0x128: {  	[sflag:s3] =	ssyncset.done $0x0  }
0x129: {  	[sflag:s3] =	ssyncadd.s32 $0xFFFF8000  }
0x12a: {  	_ =	swait.ge [sflag:s3], $0x8000  }
0x12b: {  	[sflag:s3] =	ssyncset.done $0x0  }
0x12c: {  	[sflag:s3] =	ssyncadd.s32 $0xFFFF8000  }
0x12d: {  	_ =	sfence.sel $0x180000  }
0x12e: {  	[bflag:$0x0] =	sbarrier.arrive $0xFFFF  }
0x12f: {  	_ =	strace $0x90000047  }
0x130: {  	[bflag:$0x2] =	sbarrier.arrive $0xFFFF  }
0x131: {  	p0 =	sne.s32 s1, $0x0;
	s0 =	rddreg [dreg:$0x2]  }
0x132: {  	s0 =	sadd.s32 @!p0 $0x100000, s0  }
0x133: {  	[sflag:s0] =	ssyncadd.tile.s32 @!p0 $0x1;
	_ =	shalt  }
.Lfunc_end2:
_tile_overlayer_lowered:
.L_overlay_start_2:
0x134: {  	(tag) =	ssettag $0x2  }
0x135: {  	s0 =	rddreg [dreg:$0x0];
	s2 =	stileid.u32  }
0x136: {  	s1 =	rddreg [dreg:$0x1];
	p0 =	sne.s32 s2, $0x0  }
0x137: {  	s3 =	rddreg [dreg:$0x2];
	[bflag:$0x3] =	sbarrier.arrive $0xFFFF;
	s2 =	simm.s32 @!p0 $0x1C07  }
0x138: {  	[timem:s3], [sflag:s2] =	dma.local @!p0 [hbm:s0], s1  }
0x139: {  	s0 =	simm.s32 @!p0 $0x7  }
0x13a: {  	_ =	swait.ge @!p0 [sflag:s0], s1  }
0x13b: {  	s1 =	ssub.s32 @!p0 $0x0, s1;
	[sflag:s0] =	ssyncset.done @!p0 $0x0  }
0x13c: {  	[sflag:s0] =	ssyncadd.s32 @!p0 s1  }
0x13d: {  	[bflag:$0x3] =	sbarrier.arrive $0xFFFF  }
0x13e: {  	_ =	shalt  }

</sc_bundles>
